<compile_context>
chip_gen: v7x
topology: tpu7x:2x2x1
jax: 0.10.2.dev20260603
libtpu: 0.0.44.dev20260713+nightly
codegen_flags: <defaults>
</compile_context>

<pallas_src>
import functools

import jax
import jax.numpy as jnp
from jax import lax
from jax.experimental import pallas as pl
from jax.experimental.pallas import tpu as pltpu
from jax.experimental.pallas import tpu_sc as plsc

VOCAB = 1000000
EMBED_OUT = 32
CONTEXT = 20
N_ACTIONS = 6
L1 = 256
BATCH = 16384

N_IDX = BATCH * CONTEXT
NUM_WORKERS = 32
PER_WORKER = N_IDX // NUM_WORKERS
CHUNK = 2048
N_CHUNKS = PER_WORKER // CHUNK

VPAD = 1024000
STRIP = VPAD // 4
BR = 2048
PACK_GRID = STRIP // BR
LAST_BLK = (VOCAB - 1) // BR


def _pack_body(x0_ref, x1_ref, x2_ref, x3_ref, o_ref):
    for q, xq in enumerate((x0_ref, x1_ref, x2_ref, x3_ref)):
        o_ref[:, 32 * q:32 * (q + 1)] = xq[...].T


def _tc_pack(table_t):
    def strip_spec(q):
        return pl.BlockSpec(
            (EMBED_OUT, BR),
            lambda i, q=q: (0, jnp.minimum(PACK_GRID * q + i, LAST_BLK)),
        )
    return pl.pallas_call(
        _pack_body,
        grid=(PACK_GRID,),
        in_specs=[strip_spec(q) for q in range(4)],
        out_specs=pl.BlockSpec((BR, 128), lambda i: (i, 0)),
        out_shape=jax.ShapeDtypeStruct((STRIP, 128), jnp.float32),
    )(table_t, table_t, table_t, table_t)


def _sc_gather(flat_idx, table_lin):
    mesh = plsc.VectorSubcoreMesh(core_axis_name="c", subcore_axis_name="s")

    @functools.partial(
        pl.kernel,
        out_type=jax.ShapeDtypeStruct((N_IDX, EMBED_OUT), jnp.float32),
        mesh=mesh,
        scratch_types=[
            pltpu.VMEM((CHUNK,), jnp.int32),
            pltpu.VMEM((CHUNK, EMBED_OUT), jnp.float32),
            pltpu.SemaphoreType.DMA,
        ],
        compiler_params=pltpu.CompilerParams(use_tc_tiling_on_sc=False),
    )
    def gather_kernel(idx_hbm, table_hbm, out_hbm, idx_v, rows_v, sem):
        wid = lax.axis_index("s") * 2 + lax.axis_index("c")
        base = wid * PER_WORKER
        for c in range(N_CHUNKS):
            off = base + c * CHUNK
            pltpu.sync_copy(idx_hbm.at[pl.ds(off, CHUNK)], idx_v)
            pltpu.async_copy(table_hbm.at[idx_v], rows_v, sem).wait()
            pltpu.sync_copy(rows_v, out_hbm.at[pl.ds(off, CHUNK)])

    return gather_kernel(flat_idx, table_lin)


BM = 2048
N_J = CONTEXT * EMBED_OUT // 128
TILES_PER_BLOCK = BM // 8 * N_J


def _mlp_body(e_ref, w1_ref, b1_ref, w2_ref, b2_ref, o_ref):
    x4 = e_ref[...].reshape(BM // 8, N_J, 8, 128)
    acc = jnp.zeros((BM, L1), jnp.float32)
    for j in range(N_J):
        ej = x4[:, j].reshape(BM, 128)
        acc += jnp.dot(ej, w1_ref[j], preferred_element_type=jnp.float32)
    h = jnp.maximum(acc + b1_ref[...], 0.0)
    o_ref[...] = jnp.dot(h, w2_ref[...], preferred_element_type=jnp.float32) + b2_ref[...]


def _tc_mlp(e3, W1, b1, W2, b2):
    grid = (BATCH // BM,)
    return pl.pallas_call(
        _mlp_body,
        grid=grid,
        in_specs=[
            pl.BlockSpec((TILES_PER_BLOCK, 8, 128), lambda i: (i, 0, 0)),
            pl.BlockSpec((N_J, 128, L1), lambda i: (0, 0, 0)),
            pl.BlockSpec((1, L1), lambda i: (0, 0)),
            pl.BlockSpec((L1, N_ACTIONS), lambda i: (0, 0)),
            pl.BlockSpec((1, N_ACTIONS), lambda i: (0, 0)),
        ],
        out_specs=pl.BlockSpec((BM, N_ACTIONS), lambda i: (i, 0)),
        out_shape=jax.ShapeDtypeStruct((BATCH, N_ACTIONS), jnp.float32),
    )(e3, W1.reshape(N_J, 128, L1), b1.reshape(1, L1),
      W2, b2.reshape(1, N_ACTIONS))


def kernel(x, emb_table, W1, b1, W2, b2):
    packed = _tc_pack(emb_table.T)
    table_lin = packed.reshape(VPAD, EMBED_OUT)
    vidx = (x % STRIP) * 4 + x // STRIP
    pidx = vidx.reshape(BATCH // 8, 8, N_J, 4).transpose(0, 2, 1, 3).reshape(N_IDX)
    rows = _sc_gather(pidx, table_lin)
    e3 = rows.reshape(N_IDX * EMBED_OUT // (8 * 128), 8, 128)
    return _tc_mlp(e3, W1, b1, W2, b2)

# --- scband reference (transcript-rebuilt; emitter-appended) ---
"""Pipeline reference for scband-embednet-42133629173761 (READ-ONLY COPY).

The authoritative reference and input builder live on the scoring server;
editing this copy changes nothing except your own understanding.
"""

import jax, jax.numpy as jnp
import numpy as np

VOCAB = 1000000
EMBED_OUT = 32
CONTEXT = 20
N_ACTIONS = 6
L1 = 256
BATCH = 16384


def setup_inputs(seed: int = 0) -> dict:
    key = jax.random.key(seed)
    k_x, k_emb, k_w1, k_b1, k_w2, k_b2 = jax.random.split(key, 6)
    x = jax.random.randint(k_x, (BATCH, CONTEXT), 0, VOCAB, dtype=jnp.int64 if jax.config.jax_enable_x64 else jnp.int32).astype(jnp.int32)
    emb_table = jax.random.normal(k_emb, (VOCAB, EMBED_OUT), dtype=jnp.float32)
    in1 = EMBED_OUT * CONTEXT
    lim1 = 1.0 / np.sqrt(in1)
    W1 = jax.random.uniform(k_w1, (in1, L1), minval=-lim1, maxval=lim1, dtype=jnp.float32)
    b1 = jax.random.uniform(k_b1, (L1,), minval=-lim1, maxval=lim1, dtype=jnp.float32)
    lim2 = 1.0 / np.sqrt(L1)
    W2 = jax.random.uniform(k_w2, (L1, N_ACTIONS), minval=-lim2, maxval=lim2, dtype=jnp.float32)
    b2 = jax.random.uniform(k_b2, (N_ACTIONS,), minval=-lim2, maxval=lim2, dtype=jnp.float32)
    return {"x": x, "emb_table": emb_table, "W1": W1, "b1": b1, "W2": W2, "b2": b2}


def reference(x, emb_table, W1, b1, W2, b2):
    # nn.Embedding lookup -> gather rows
    embeds = jnp.take(emb_table, x, axis=0)  # [B, CONTEXT, EMBED_OUT]
    embeds = embeds.reshape((-1, EMBED_OUT * CONTEXT))
    h = jax.nn.relu(embeds @ W1 + b1)
    out = h @ W2 + b2
    return out

if __name__ == "__main__":
    import jax
    _d = setup_inputs()
    print(jax.jit(kernel)(*tuple(_d.values())))

</pallas_src>

<mosaic_0001>
#map = affine_map<(d0, d1) -> (0)>
#map1 = affine_map<(d0, d1) -> (0, 0)>
module attributes {stable_mosaic.version = 14 : i64} {
  func.func @gather_kernel(%arg0: i32, %arg1: i32, %arg2: memref<327680xi32, #tpu.memory_space<hbm>>, %arg3: memref<1024000x32xf32, #tpu.memory_space<hbm>>, %arg4: memref<327680x32xf32, #tpu.memory_space<hbm>>, %arg5: memref<2048xi32, #tpu.memory_space<vmem>>, %arg6: memref<2048x32xf32, #tpu.memory_space<vmem>>, %arg7: memref<!tpu.dma_semaphore, #tpu.memory_space<semaphore_mem>>) attributes {dimension_semantics = [#tpu.dimension_semantics<core_parallel>, #tpu.dimension_semantics<subcore_parallel>], iteration_bounds = array<i64: 2, 16>, scalar_prefetch = 0 : i64, scratch_operands = 3 : i64, tpu.core_type = #tpu.core_type<sc_vector_subcore>, window_params = [{transform_indices = #map}, {transform_indices = #map1}, {transform_indices = #map1}]} {
    %mul3A = arith.constant 2 : i32
    %mul3A_0 = arith.muli %arg1, %mul3A : i32
    %add3A = arith.addi %mul3A_0, %arg0 : i32
    %mul3A_1 = arith.constant 10240 : i32
    %mul3A_2 = arith.muli %add3A, %mul3A_1 : i32
    %add3A_3 = arith.constant 0 : i32
    %add3A_4 = arith.addi %mul3A_2, %add3A_3 : i32
    "tpu.region"() ({
      %run_scoped3A = tpu.sem_alloc : memref<!tpu.dma_semaphore, #tpu.memory_space<semaphore_mem>>
      %dma_start3A_41 = tpu.memref_slice %arg2[%add3A_4] : memref<327680xi32, #tpu.memory_space<hbm>> -> memref<2048xi32, #tpu.memory_space<hbm>>
      %dma_start3A_42 = tpu.memref_slice %arg2[%add3A_4] : memref<327680xi32, #tpu.memory_space<hbm>> -> memref<2048xi32, #tpu.memory_space<hbm>>
      tpu.enqueue_dma source(%dma_start3A_42 : memref<2048xi32, #tpu.memory_space<hbm>>) target(%arg5 : memref<2048xi32, #tpu.memory_space<vmem>>) target_semaphore(%run_scoped3A : memref<!tpu.dma_semaphore, #tpu.memory_space<semaphore_mem>>)
      %dma_wait3A_43 = tpu.memref_slice %arg2[%add3A_4] : memref<327680xi32, #tpu.memory_space<hbm>> -> memref<2048xi32, #tpu.memory_space<hbm>>
      %dma_wait3A_44 = tpu.memref_slice %arg2[%add3A_4] : memref<327680xi32, #tpu.memory_space<hbm>> -> memref<2048xi32, #tpu.memory_space<hbm>>
      tpu.wait_dma2 semaphore(%run_scoped3A : memref<!tpu.dma_semaphore, #tpu.memory_space<semaphore_mem>>) src(%dma_wait3A_44 : memref<2048xi32, #tpu.memory_space<hbm>>) dst(%arg5 : memref<2048xi32, #tpu.memory_space<vmem>>)
      tpu.yield
    }) : () -> ()
    %dma_start3A = arith.constant 0 : i32
    %dma_start3A_5 = arith.constant 0 : i32
    %dma_start3A_6 = tpu.memref_slice %arg3[%dma_start3A, %dma_start3A_5] : memref<1024000x32xf32, #tpu.memory_space<hbm>> -> memref<1024000x32xf32, #tpu.memory_space<hbm>>
    tpu.enqueue_indirect_dma source(%dma_start3A_6 : memref<1024000x32xf32, #tpu.memory_space<hbm>>) target(%arg6 : memref<2048x32xf32, #tpu.memory_space<vmem>>) offsets(%arg5 : memref<2048xi32, #tpu.memory_space<vmem>>) semaphore(%arg7 : memref<!tpu.dma_semaphore, #tpu.memory_space<semaphore_mem>>)
    %dma_wait3A = arith.constant 0 : i32
    %dma_wait3A_7 = arith.constant 0 : i32
    %dma_wait3A_8 = tpu.memref_slice %arg3[%dma_wait3A, %dma_wait3A_7] : memref<1024000x32xf32, #tpu.memory_space<hbm>> -> memref<1024000x32xf32, #tpu.memory_space<hbm>>
    tpu.wait_indirect_dma semaphore(%arg7 : memref<!tpu.dma_semaphore, #tpu.memory_space<semaphore_mem>>) src(%dma_wait3A_8 : memref<1024000x32xf32, #tpu.memory_space<hbm>>) dst(%arg6 : memref<2048x32xf32, #tpu.memory_space<vmem>>)
    "tpu.region"() ({
      %run_scoped3A = tpu.sem_alloc : memref<!tpu.dma_semaphore, #tpu.memory_space<semaphore_mem>>
      %dma_start3A_41 = arith.constant 0 : i32
      %dma_start3A_42 = tpu.memref_slice %arg4[%add3A_4, %dma_start3A_41] : memref<327680x32xf32, #tpu.memory_space<hbm>> -> memref<2048x32xf32, #tpu.memory_space<hbm>>
      %dma_start3A_43 = arith.constant 0 : i32
      %dma_start3A_44 = tpu.memref_slice %arg4[%add3A_4, %dma_start3A_43] : memref<327680x32xf32, #tpu.memory_space<hbm>> -> memref<2048x32xf32, #tpu.memory_space<hbm>>
      tpu.enqueue_dma source(%arg6 : memref<2048x32xf32, #tpu.memory_space<vmem>>) target(%dma_start3A_44 : memref<2048x32xf32, #tpu.memory_space<hbm>>) target_semaphore(%run_scoped3A : memref<!tpu.dma_semaphore, #tpu.memory_space<semaphore_mem>>)
      %dma_wait3A_45 = arith.constant 0 : i32
      %dma_wait3A_46 = tpu.memref_slice %arg4[%add3A_4, %dma_wait3A_45] : memref<327680x32xf32, #tpu.memory_space<hbm>> -> memref<2048x32xf32, #tpu.memory_space<hbm>>
      %dma_wait3A_47 = arith.constant 0 : i32
      %dma_wait3A_48 = tpu.memref_slice %arg4[%add3A_4, %dma_wait3A_47] : memref<327680x32xf32, #tpu.memory_space<hbm>> -> memref<2048x32xf32, #tpu.memory_space<hbm>>
      tpu.wait_dma2 semaphore(%run_scoped3A : memref<!tpu.dma_semaphore, #tpu.memory_space<semaphore_mem>>) src(%arg6 : memref<2048x32xf32, #tpu.memory_space<vmem>>) dst(%dma_wait3A_48 : memref<2048x32xf32, #tpu.memory_space<hbm>>)
      tpu.yield
    }) : () -> ()
    %add3A_9 = arith.constant 2048 : i32
    %add3A_10 = arith.addi %mul3A_2, %add3A_9 : i32
    "tpu.region"() ({
      %run_scoped3A = tpu.sem_alloc : memref<!tpu.dma_semaphore, #tpu.memory_space<semaphore_mem>>
      %dma_start3A_41 = tpu.memref_slice %arg2[%add3A_10] : memref<327680xi32, #tpu.memory_space<hbm>> -> memref<2048xi32, #tpu.memory_space<hbm>>
      %dma_start3A_42 = tpu.memref_slice %arg2[%add3A_10] : memref<327680xi32, #tpu.memory_space<hbm>> -> memref<2048xi32, #tpu.memory_space<hbm>>
      tpu.enqueue_dma source(%dma_start3A_42 : memref<2048xi32, #tpu.memory_space<hbm>>) target(%arg5 : memref<2048xi32, #tpu.memory_space<vmem>>) target_semaphore(%run_scoped3A : memref<!tpu.dma_semaphore, #tpu.memory_space<semaphore_mem>>)
      %dma_wait3A_43 = tpu.memref_slice %arg2[%add3A_10] : memref<327680xi32, #tpu.memory_space<hbm>> -> memref<2048xi32, #tpu.memory_space<hbm>>
      %dma_wait3A_44 = tpu.memref_slice %arg2[%add3A_10] : memref<327680xi32, #tpu.memory_space<hbm>> -> memref<2048xi32, #tpu.memory_space<hbm>>
      tpu.wait_dma2 semaphore(%run_scoped3A : memref<!tpu.dma_semaphore, #tpu.memory_space<semaphore_mem>>) src(%dma_wait3A_44 : memref<2048xi32, #tpu.memory_space<hbm>>) dst(%arg5 : memref<2048xi32, #tpu.memory_space<vmem>>)
      tpu.yield
    }) : () -> ()
    %dma_start3A_11 = arith.constant 0 : i32
    %dma_start3A_12 = arith.constant 0 : i32
    %dma_start3A_13 = tpu.memref_slice %arg3[%dma_start3A_11, %dma_start3A_12] : memref<1024000x32xf32, #tpu.memory_space<hbm>> -> memref<1024000x32xf32, #tpu.memory_space<hbm>>
    tpu.enqueue_indirect_dma source(%dma_start3A_13 : memref<1024000x32xf32, #tpu.memory_space<hbm>>) target(%arg6 : memref<2048x32xf32, #tpu.memory_space<vmem>>) offsets(%arg5 : memref<2048xi32, #tpu.memory_space<vmem>>) semaphore(%arg7 : memref<!tpu.dma_semaphore, #tpu.memory_space<semaphore_mem>>)
    %dma_wait3A_14 = arith.constant 0 : i32
    %dma_wait3A_15 = arith.constant 0 : i32
    %dma_wait3A_16 = tpu.memref_slice %arg3[%dma_wait3A_14, %dma_wait3A_15] : memref<1024000x32xf32, #tpu.memory_space<hbm>> -> memref<1024000x32xf32, #tpu.memory_space<hbm>>
    tpu.wait_indirect_dma semaphore(%arg7 : memref<!tpu.dma_semaphore, #tpu.memory_space<semaphore_mem>>) src(%dma_wait3A_16 : memref<1024000x32xf32, #tpu.memory_space<hbm>>) dst(%arg6 : memref<2048x32xf32, #tpu.memory_space<vmem>>)
    "tpu.region"() ({
      %run_scoped3A = tpu.sem_alloc : memref<!tpu.dma_semaphore, #tpu.memory_space<semaphore_mem>>
      %dma_start3A_41 = arith.constant 0 : i32
      %dma_start3A_42 = tpu.memref_slice %arg4[%add3A_10, %dma_start3A_41] : memref<327680x32xf32, #tpu.memory_space<hbm>> -> memref<2048x32xf32, #tpu.memory_space<hbm>>
      %dma_start3A_43 = arith.constant 0 : i32
      %dma_start3A_44 = tpu.memref_slice %arg4[%add3A_10, %dma_start3A_43] : memref<327680x32xf32, #tpu.memory_space<hbm>> -> memref<2048x32xf32, #tpu.memory_space<hbm>>
      tpu.enqueue_dma source(%arg6 : memref<2048x32xf32, #tpu.memory_space<vmem>>) target(%dma_start3A_44 : memref<2048x32xf32, #tpu.memory_space<hbm>>) target_semaphore(%run_scoped3A : memref<!tpu.dma_semaphore, #tpu.memory_space<semaphore_mem>>)
      %dma_wait3A_45 = arith.constant 0 : i32
      %dma_wait3A_46 = tpu.memref_slice %arg4[%add3A_10, %dma_wait3A_45] : memref<327680x32xf32, #tpu.memory_space<hbm>> -> memref<2048x32xf32, #tpu.memory_space<hbm>>
      %dma_wait3A_47 = arith.constant 0 : i32
      %dma_wait3A_48 = tpu.memref_slice %arg4[%add3A_10, %dma_wait3A_47] : memref<327680x32xf32, #tpu.memory_space<hbm>> -> memref<2048x32xf32, #tpu.memory_space<hbm>>
      tpu.wait_dma2 semaphore(%run_scoped3A : memref<!tpu.dma_semaphore, #tpu.memory_space<semaphore_mem>>) src(%arg6 : memref<2048x32xf32, #tpu.memory_space<vmem>>) dst(%dma_wait3A_48 : memref<2048x32xf32, #tpu.memory_space<hbm>>)
      tpu.yield
    }) : () -> ()
    %add3A_17 = arith.constant 4096 : i32
    %add3A_18 = arith.addi %mul3A_2, %add3A_17 : i32
    "tpu.region"() ({
      %run_scoped3A = tpu.sem_alloc : memref<!tpu.dma_semaphore, #tpu.memory_space<semaphore_mem>>
      %dma_start3A_41 = tpu.memref_slice %arg2[%add3A_18] : memref<327680xi32, #tpu.memory_space<hbm>> -> memref<2048xi32, #tpu.memory_space<hbm>>
      %dma_start3A_42 = tpu.memref_slice %arg2[%add3A_18] : memref<327680xi32, #tpu.memory_space<hbm>> -> memref<2048xi32, #tpu.memory_space<hbm>>
      tpu.enqueue_dma source(%dma_start3A_42 : memref<2048xi32, #tpu.memory_space<hbm>>) target(%arg5 : memref<2048xi32, #tpu.memory_space<vmem>>) target_semaphore(%run_scoped3A : memref<!tpu.dma_semaphore, #tpu.memory_space<semaphore_mem>>)
      %dma_wait3A_43 = tpu.memref_slice %arg2[%add3A_18] : memref<327680xi32, #tpu.memory_space<hbm>> -> memref<2048xi32, #tpu.memory_space<hbm>>
      %dma_wait3A_44 = tpu.memref_slice %arg2[%add3A_18] : memref<327680xi32, #tpu.memory_space<hbm>> -> memref<2048xi32, #tpu.memory_space<hbm>>
      tpu.wait_dma2 semaphore(%run_scoped3A : memref<!tpu.dma_semaphore, #tpu.memory_space<semaphore_mem>>) src(%dma_wait3A_44 : memref<2048xi32, #tpu.memory_space<hbm>>) dst(%arg5 : memref<2048xi32, #tpu.memory_space<vmem>>)
      tpu.yield
    }) : () -> ()
    %dma_start3A_19 = arith.constant 0 : i32
    %dma_start3A_20 = arith.constant 0 : i32
    %dma_start3A_21 = tpu.memref_slice %arg3[%dma_start3A_19, %dma_start3A_20] : memref<1024000x32xf32, #tpu.memory_space<hbm>> -> memref<1024000x32xf32, #tpu.memory_space<hbm>>
    tpu.enqueue_indirect_dma source(%dma_start3A_21 : memref<1024000x32xf32, #tpu.memory_space<hbm>>) target(%arg6 : memref<2048x32xf32, #tpu.memory_space<vmem>>) offsets(%arg5 : memref<2048xi32, #tpu.memory_space<vmem>>) semaphore(%arg7 : memref<!tpu.dma_semaphore, #tpu.memory_space<semaphore_mem>>)
    %dma_wait3A_22 = arith.constant 0 : i32
    %dma_wait3A_23 = arith.constant 0 : i32
    %dma_wait3A_24 = tpu.memref_slice %arg3[%dma_wait3A_22, %dma_wait3A_23] : memref<1024000x32xf32, #tpu.memory_space<hbm>> -> memref<1024000x32xf32, #tpu.memory_space<hbm>>
    tpu.wait_indirect_dma semaphore(%arg7 : memref<!tpu.dma_semaphore, #tpu.memory_space<semaphore_mem>>) src(%dma_wait3A_24 : memref<1024000x32xf32, #tpu.memory_space<hbm>>) dst(%arg6 : memref<2048x32xf32, #tpu.memory_space<vmem>>)
    "tpu.region"() ({
      %run_scoped3A = tpu.sem_alloc : memref<!tpu.dma_semaphore, #tpu.memory_space<semaphore_mem>>
      %dma_start3A_41 = arith.constant 0 : i32
      %dma_start3A_42 = tpu.memref_slice %arg4[%add3A_18, %dma_start3A_41] : memref<327680x32xf32, #tpu.memory_space<hbm>> -> memref<2048x32xf32, #tpu.memory_space<hbm>>
      %dma_start3A_43 = arith.constant 0 : i32
      %dma_start3A_44 = tpu.memref_slice %arg4[%add3A_18, %dma_start3A_43] : memref<327680x32xf32, #tpu.memory_space<hbm>> -> memref<2048x32xf32, #tpu.memory_space<hbm>>
      tpu.enqueue_dma source(%arg6 : memref<2048x32xf32, #tpu.memory_space<vmem>>) target(%dma_start3A_44 : memref<2048x32xf32, #tpu.memory_space<hbm>>) target_semaphore(%run_scoped3A : memref<!tpu.dma_semaphore, #tpu.memory_space<semaphore_mem>>)
      %dma_wait3A_45 = arith.constant 0 : i32
      %dma_wait3A_46 = tpu.memref_slice %arg4[%add3A_18, %dma_wait3A_45] : memref<327680x32xf32, #tpu.memory_space<hbm>> -> memref<2048x32xf32, #tpu.memory_space<hbm>>
      %dma_wait3A_47 = arith.constant 0 : i32
      %dma_wait3A_48 = tpu.memref_slice %arg4[%add3A_18, %dma_wait3A_47] : memref<327680x32xf32, #tpu.memory_space<hbm>> -> memref<2048x32xf32, #tpu.memory_space<hbm>>
      tpu.wait_dma2 semaphore(%run_scoped3A : memref<!tpu.dma_semaphore, #tpu.memory_space<semaphore_mem>>) src(%arg6 : memref<2048x32xf32, #tpu.memory_space<vmem>>) dst(%dma_wait3A_48 : memref<2048x32xf32, #tpu.memory_space<hbm>>)
      tpu.yield
    }) : () -> ()
    %add3A_25 = arith.constant 6144 : i32
    %add3A_26 = arith.addi %mul3A_2, %add3A_25 : i32
    "tpu.region"() ({
      %run_scoped3A = tpu.sem_alloc : memref<!tpu.dma_semaphore, #tpu.memory_space<semaphore_mem>>
      %dma_start3A_41 = tpu.memref_slice %arg2[%add3A_26] : memref<327680xi32, #tpu.memory_space<hbm>> -> memref<2048xi32, #tpu.memory_space<hbm>>
      %dma_start3A_42 = tpu.memref_slice %arg2[%add3A_26] : memref<327680xi32, #tpu.memory_space<hbm>> -> memref<2048xi32, #tpu.memory_space<hbm>>
      tpu.enqueue_dma source(%dma_start3A_42 : memref<2048xi32, #tpu.memory_space<hbm>>) target(%arg5 : memref<2048xi32, #tpu.memory_space<vmem>>) target_semaphore(%run_scoped3A : memref<!tpu.dma_semaphore, #tpu.memory_space<semaphore_mem>>)
      %dma_wait3A_43 = tpu.memref_slice %arg2[%add3A_26] : memref<327680xi32, #tpu.memory_space<hbm>> -> memref<2048xi32, #tpu.memory_space<hbm>>
      %dma_wait3A_44 = tpu.memref_slice %arg2[%add3A_26] : memref<327680xi32, #tpu.memory_space<hbm>> -> memref<2048xi32, #tpu.memory_space<hbm>>
      tpu.wait_dma2 semaphore(%run_scoped3A : memref<!tpu.dma_semaphore, #tpu.memory_space<semaphore_mem>>) src(%dma_wait3A_44 : memref<2048xi32, #tpu.memory_space<hbm>>) dst(%arg5 : memref<2048xi32, #tpu.memory_space<vmem>>)
      tpu.yield
    }) : () -> ()
    %dma_start3A_27 = arith.constant 0 : i32
    %dma_start3A_28 = arith.constant 0 : i32
    %dma_start3A_29 = tpu.memref_slice %arg3[%dma_start3A_27, %dma_start3A_28] : memref<1024000x32xf32, #tpu.memory_space<hbm>> -> memref<1024000x32xf32, #tpu.memory_space<hbm>>
    tpu.enqueue_indirect_dma source(%dma_start3A_29 : memref<1024000x32xf32, #tpu.memory_space<hbm>>) target(%arg6 : memref<2048x32xf32, #tpu.memory_space<vmem>>) offsets(%arg5 : memref<2048xi32, #tpu.memory_space<vmem>>) semaphore(%arg7 : memref<!tpu.dma_semaphore, #tpu.memory_space<semaphore_mem>>)
    %dma_wait3A_30 = arith.constant 0 : i32
    %dma_wait3A_31 = arith.constant 0 : i32
    %dma_wait3A_32 = tpu.memref_slice %arg3[%dma_wait3A_30, %dma_wait3A_31] : memref<1024000x32xf32, #tpu.memory_space<hbm>> -> memref<1024000x32xf32, #tpu.memory_space<hbm>>
    tpu.wait_indirect_dma semaphore(%arg7 : memref<!tpu.dma_semaphore, #tpu.memory_space<semaphore_mem>>) src(%dma_wait3A_32 : memref<1024000x32xf32, #tpu.memory_space<hbm>>) dst(%arg6 : memref<2048x32xf32, #tpu.memory_space<vmem>>)
    "tpu.region"() ({
      %run_scoped3A = tpu.sem_alloc : memref<!tpu.dma_semaphore, #tpu.memory_space<semaphore_mem>>
      %dma_start3A_41 = arith.constant 0 : i32
      %dma_start3A_42 = tpu.memref_slice %arg4[%add3A_26, %dma_start3A_41] : memref<327680x32xf32, #tpu.memory_space<hbm>> -> memref<2048x32xf32, #tpu.memory_space<hbm>>
      %dma_start3A_43 = arith.constant 0 : i32
      %dma_start3A_44 = tpu.memref_slice %arg4[%add3A_26, %dma_start3A_43] : memref<327680x32xf32, #tpu.memory_space<hbm>> -> memref<2048x32xf32, #tpu.memory_space<hbm>>
      tpu.enqueue_dma source(%arg6 : memref<2048x32xf32, #tpu.memory_space<vmem>>) target(%dma_start3A_44 : memref<2048x32xf32, #tpu.memory_space<hbm>>) target_semaphore(%run_scoped3A : memref<!tpu.dma_semaphore, #tpu.memory_space<semaphore_mem>>)
      %dma_wait3A_45 = arith.constant 0 : i32
      %dma_wait3A_46 = tpu.memref_slice %arg4[%add3A_26, %dma_wait3A_45] : memref<327680x32xf32, #tpu.memory_space<hbm>> -> memref<2048x32xf32, #tpu.memory_space<hbm>>
      %dma_wait3A_47 = arith.constant 0 : i32
      %dma_wait3A_48 = tpu.memref_slice %arg4[%add3A_26, %dma_wait3A_47] : memref<327680x32xf32, #tpu.memory_space<hbm>> -> memref<2048x32xf32, #tpu.memory_space<hbm>>
      tpu.wait_dma2 semaphore(%run_scoped3A : memref<!tpu.dma_semaphore, #tpu.memory_space<semaphore_mem>>) src(%arg6 : memref<2048x32xf32, #tpu.memory_space<vmem>>) dst(%dma_wait3A_48 : memref<2048x32xf32, #tpu.memory_space<hbm>>)
      tpu.yield
    }) : () -> ()
    %add3A_33 = arith.constant 8192 : i32
    %add3A_34 = arith.addi %mul3A_2, %add3A_33 : i32
    "tpu.region"() ({
      %run_scoped3A = tpu.sem_alloc : memref<!tpu.dma_semaphore, #tpu.memory_space<semaphore_mem>>
      %dma_start3A_41 = tpu.memref_slice %arg2[%add3A_34] : memref<327680xi32, #tpu.memory_space<hbm>> -> memref<2048xi32, #tpu.memory_space<hbm>>
      %dma_start3A_42 = tpu.memref_slice %arg2[%add3A_34] : memref<327680xi32, #tpu.memory_space<hbm>> -> memref<2048xi32, #tpu.memory_space<hbm>>
      tpu.enqueue_dma source(%dma_start3A_42 : memref<2048xi32, #tpu.memory_space<hbm>>) target(%arg5 : memref<2048xi32, #tpu.memory_space<vmem>>) target_semaphore(%run_scoped3A : memref<!tpu.dma_semaphore, #tpu.memory_space<semaphore_mem>>)
      %dma_wait3A_43 = tpu.memref_slice %arg2[%add3A_34] : memref<327680xi32, #tpu.memory_space<hbm>> -> memref<2048xi32, #tpu.memory_space<hbm>>
      %dma_wait3A_44 = tpu.memref_slice %arg2[%add3A_34] : memref<327680xi32, #tpu.memory_space<hbm>> -> memref<2048xi32, #tpu.memory_space<hbm>>
      tpu.wait_dma2 semaphore(%run_scoped3A : memref<!tpu.dma_semaphore, #tpu.memory_space<semaphore_mem>>) src(%dma_wait3A_44 : memref<2048xi32, #tpu.memory_space<hbm>>) dst(%arg5 : memref<2048xi32, #tpu.memory_space<vmem>>)
      tpu.yield
    }) : () -> ()
    %dma_start3A_35 = arith.constant 0 : i32
    %dma_start3A_36 = arith.constant 0 : i32
    %dma_start3A_37 = tpu.memref_slice %arg3[%dma_start3A_35, %dma_start3A_36] : memref<1024000x32xf32, #tpu.memory_space<hbm>> -> memref<1024000x32xf32, #tpu.memory_space<hbm>>
    tpu.enqueue_indirect_dma source(%dma_start3A_37 : memref<1024000x32xf32, #tpu.memory_space<hbm>>) target(%arg6 : memref<2048x32xf32, #tpu.memory_space<vmem>>) offsets(%arg5 : memref<2048xi32, #tpu.memory_space<vmem>>) semaphore(%arg7 : memref<!tpu.dma_semaphore, #tpu.memory_space<semaphore_mem>>)
    %dma_wait3A_38 = arith.constant 0 : i32
    %dma_wait3A_39 = arith.constant 0 : i32
    %dma_wait3A_40 = tpu.memref_slice %arg3[%dma_wait3A_38, %dma_wait3A_39] : memref<1024000x32xf32, #tpu.memory_space<hbm>> -> memref<1024000x32xf32, #tpu.memory_space<hbm>>
    tpu.wait_indirect_dma semaphore(%arg7 : memref<!tpu.dma_semaphore, #tpu.memory_space<semaphore_mem>>) src(%dma_wait3A_40 : memref<1024000x32xf32, #tpu.memory_space<hbm>>) dst(%arg6 : memref<2048x32xf32, #tpu.memory_space<vmem>>)
    "tpu.region"() ({
      %run_scoped3A = tpu.sem_alloc : memref<!tpu.dma_semaphore, #tpu.memory_space<semaphore_mem>>
      %dma_start3A_41 = arith.constant 0 : i32
      %dma_start3A_42 = tpu.memref_slice %arg4[%add3A_34, %dma_start3A_41] : memref<327680x32xf32, #tpu.memory_space<hbm>> -> memref<2048x32xf32, #tpu.memory_space<hbm>>
      %dma_start3A_43 = arith.constant 0 : i32
      %dma_start3A_44 = tpu.memref_slice %arg4[%add3A_34, %dma_start3A_43] : memref<327680x32xf32, #tpu.memory_space<hbm>> -> memref<2048x32xf32, #tpu.memory_space<hbm>>
      tpu.enqueue_dma source(%arg6 : memref<2048x32xf32, #tpu.memory_space<vmem>>) target(%dma_start3A_44 : memref<2048x32xf32, #tpu.memory_space<hbm>>) target_semaphore(%run_scoped3A : memref<!tpu.dma_semaphore, #tpu.memory_space<semaphore_mem>>)
      %dma_wait3A_45 = arith.constant 0 : i32
      %dma_wait3A_46 = tpu.memref_slice %arg4[%add3A_34, %dma_wait3A_45] : memref<327680x32xf32, #tpu.memory_space<hbm>> -> memref<2048x32xf32, #tpu.memory_space<hbm>>
      %dma_wait3A_47 = arith.constant 0 : i32
      %dma_wait3A_48 = tpu.memref_slice %arg4[%add3A_34, %dma_wait3A_47] : memref<327680x32xf32, #tpu.memory_space<hbm>> -> memref<2048x32xf32, #tpu.memory_space<hbm>>
      tpu.wait_dma2 semaphore(%run_scoped3A : memref<!tpu.dma_semaphore, #tpu.memory_space<semaphore_mem>>) src(%arg6 : memref<2048x32xf32, #tpu.memory_space<vmem>>) dst(%dma_wait3A_48 : memref<2048x32xf32, #tpu.memory_space<hbm>>)
      tpu.yield
    }) : () -> ()
    return
  }
}

module attributes {stable_mosaic.version = 14 : i64} {
  func.func @_pack_body(%arg0: i32, %arg1: memref<32x2048xf32, #tpu.memory_space<vmem>>, %arg2: memref<32x2048xf32, #tpu.memory_space<vmem>>, %arg3: memref<32x2048xf32, #tpu.memory_space<vmem>>, %arg4: memref<32x2048xf32, #tpu.memory_space<vmem>>, %arg5: memref<2048x128xf32, #tpu.memory_space<vmem>>) attributes {dimension_semantics = [#tpu.dimension_semantics<arbitrary>], iteration_bounds = array<i64: 125>, scalar_prefetch = 0 : i64, scratch_operands = 0 : i64, tpu.core_type = #tpu.core_type<tc>, window_params = [{transform_indices = @transform_0, window_bounds = array<i64: 32, 2048>}, {transform_indices = @transform_1, window_bounds = array<i64: 32, 2048>}, {transform_indices = @transform_2, window_bounds = array<i64: 32, 2048>}, {transform_indices = @transform_3, window_bounds = array<i64: 32, 2048>}, {transform_indices = @transform_4, window_bounds = array<i64: 2048, 128>}]} {
    %get3A = arith.constant 0 : index
    %get3A_0 = arith.constant 0 : index
    %get3A_1 = vector.load %arg1[%get3A, %get3A_0] : memref<32x2048xf32, #tpu.memory_space<vmem>>, vector<32x2048xf32>
    %transpose3A = tpu.transpose %get3A_1, [1, 0] : vector<32x2048xf32> -> vector<2048x32xf32>
    %swap3A = arith.constant 0 : index
    %swap3A_2 = arith.constant 0 : index
    %swap3A_3 = vector.load %arg5[%swap3A, %swap3A_2] : memref<2048x128xf32, #tpu.memory_space<vmem>>, vector<2048x32xf32>
    tpu.vector_store %arg5[%swap3A, %swap3A_2], %transpose3A {strides = array<i32>} : memref<2048x128xf32, #tpu.memory_space<vmem>>, vector<2048x32xf32>,
    %get3A_4 = arith.constant 0 : index
    %get3A_5 = arith.constant 0 : index
    %get3A_6 = vector.load %arg2[%get3A_4, %get3A_5] : memref<32x2048xf32, #tpu.memory_space<vmem>>, vector<32x2048xf32>
    %transpose3A_7 = tpu.transpose %get3A_6, [1, 0] : vector<32x2048xf32> -> vector<2048x32xf32>
    %swap3A_8 = arith.constant 0 : index
    %swap3A_9 = arith.constant 32 : index
    %swap3A_10 = vector.load %arg5[%swap3A_8, %swap3A_9] : memref<2048x128xf32, #tpu.memory_space<vmem>>, vector<2048x32xf32>
    tpu.vector_store %arg5[%swap3A_8, %swap3A_9], %transpose3A_7 {strides = array<i32>} : memref<2048x128xf32, #tpu.memory_space<vmem>>, vector<2048x32xf32>,
    %get3A_11 = arith.constant 0 : index
    %get3A_12 = arith.constant 0 : index
    %get3A_13 = vector.load %arg3[%get3A_11, %get3A_12] : memref<32x2048xf32, #tpu.memory_space<vmem>>, vector<32x2048xf32>
    %transpose3A_14 = tpu.transpose %get3A_13, [1, 0] : vector<32x2048xf32> -> vector<2048x32xf32>
    %swap3A_15 = arith.constant 0 : index
    %swap3A_16 = arith.constant 64 : index
    %swap3A_17 = vector.load %arg5[%swap3A_15, %swap3A_16] : memref<2048x128xf32, #tpu.memory_space<vmem>>, vector<2048x32xf32>
    tpu.vector_store %arg5[%swap3A_15, %swap3A_16], %transpose3A_14 {strides = array<i32>} : memref<2048x128xf32, #tpu.memory_space<vmem>>, vector<2048x32xf32>,
    %get3A_18 = arith.constant 0 : index
    %get3A_19 = arith.constant 0 : index
    %get3A_20 = vector.load %arg4[%get3A_18, %get3A_19] : memref<32x2048xf32, #tpu.memory_space<vmem>>, vector<32x2048xf32>
    %transpose3A_21 = tpu.transpose %get3A_20, [1, 0] : vector<32x2048xf32> -> vector<2048x32xf32>
    %swap3A_22 = arith.constant 0 : index
    %swap3A_23 = arith.constant 96 : index
    %swap3A_24 = vector.load %arg5[%swap3A_22, %swap3A_23] : memref<2048x128xf32, #tpu.memory_space<vmem>>, vector<2048x32xf32>
    tpu.vector_store %arg5[%swap3A_22, %swap3A_23], %transpose3A_21 {strides = array<i32>} : memref<2048x128xf32, #tpu.memory_space<vmem>>, vector<2048x32xf32>,
    return
  }
  func.func @transform_0(%arg0: i32) -> (i32, i32) {
    %add3A = arith.constant 0 : i32
    %add3A_0 = arith.addi %add3A, %arg0 : i32
    %min3A = arith.constant 488 : i32
    %min3A_1 = arith.minsi %add3A_0, %min3A : i32
    %c0_i32 = arith.constant 0 : i32
    %c0_i32_2 = arith.constant 0 : i32
    return %c0_i32, %min3A_1 : i32, i32
  }
  func.func @transform_1(%arg0: i32) -> (i32, i32) {
    %add3A = arith.constant 125 : i32
    %add3A_0 = arith.addi %add3A, %arg0 : i32
    %min3A = arith.constant 488 : i32
    %min3A_1 = arith.minsi %add3A_0, %min3A : i32
    %c0_i32 = arith.constant 0 : i32
    %c0_i32_2 = arith.constant 0 : i32
    return %c0_i32, %min3A_1 : i32, i32
  }
  func.func @transform_2(%arg0: i32) -> (i32, i32) {
    %add3A = arith.constant 250 : i32
    %add3A_0 = arith.addi %add3A, %arg0 : i32
    %min3A = arith.constant 488 : i32
    %min3A_1 = arith.minsi %add3A_0, %min3A : i32
    %c0_i32 = arith.constant 0 : i32
    %c0_i32_2 = arith.constant 0 : i32
    return %c0_i32, %min3A_1 : i32, i32
  }
  func.func @transform_3(%arg0: i32) -> (i32, i32) {
    %add3A = arith.constant 375 : i32
    %add3A_0 = arith.addi %add3A, %arg0 : i32
    %min3A = arith.constant 488 : i32
    %min3A_1 = arith.minsi %add3A_0, %min3A : i32
    %c0_i32 = arith.constant 0 : i32
    %c0_i32_2 = arith.constant 0 : i32
    return %c0_i32, %min3A_1 : i32, i32
  }
  func.func @transform_4(%arg0: i32) -> (i32, i32) {
    %c0_i32 = arith.constant 0 : i32
    %c0_i32_0 = arith.constant 0 : i32
    return %arg0, %c0_i32 : i32, i32
  }
}

module attributes {stable_mosaic.version = 14 : i64} {
  func.func @_mlp_body(%arg0: i32, %arg1: memref<1280x8x128xf32, #tpu.memory_space<vmem>>, %arg2: memref<5x128x256xf32, #tpu.memory_space<vmem>>, %arg3: memref<1x256xf32, #tpu.memory_space<vmem>>, %arg4: memref<256x6xf32, #tpu.memory_space<vmem>>, %arg5: memref<1x6xf32, #tpu.memory_space<vmem>>, %arg6: memref<2048x6xf32, #tpu.memory_space<vmem>>) attributes {dimension_semantics = [#tpu.dimension_semantics<arbitrary>], iteration_bounds = array<i64: 8>, scalar_prefetch = 0 : i64, scratch_operands = 0 : i64, tpu.core_type = #tpu.core_type<tc>, window_params = [{transform_indices = @transform_0, window_bounds = array<i64: 1280, 8, 128>}, {pipeline_mode = #tpu.pipeline_mode<synchronous>, transform_indices = @transform_1, window_bounds = array<i64: 5, 128, 256>}, {pipeline_mode = #tpu.pipeline_mode<synchronous>, transform_indices = @transform_2, window_bounds = array<i64: 1, 256>}, {pipeline_mode = #tpu.pipeline_mode<synchronous>, transform_indices = @transform_3, window_bounds = array<i64: 256, 6>}, {pipeline_mode = #tpu.pipeline_mode<synchronous>, transform_indices = @transform_4, window_bounds = array<i64: 1, 6>}, {transform_indices = @transform_5, window_bounds = array<i64: 2048, 6>}]} {
    %get3A = arith.constant 0 : index
    %get3A_0 = arith.constant 0 : index
    %get3A_1 = arith.constant 0 : index
    %get3A_2 = vector.load %arg1[%get3A, %get3A_0, %get3A_1] : memref<1280x8x128xf32, #tpu.memory_space<vmem>>, vector<1280x8x128xf32>
    %reshape3A = vector.shape_cast %get3A_2 : vector<1280x8x128xf32> to vector<256x5x8x128xf32>
    %broadcast_in_dim3A = arith.constant 0.000000e+00 : f32
    %broadcast_in_dim3A_3 = vector.broadcast %broadcast_in_dim3A : f32 to vector<2048x256xf32>
    %slice3A = vector.extract_strided_slice %reshape3A {offsets = [0, 0, 0, 0], sizes = [256, 1, 8, 128], strides = [1, 1, 1, 1]} : vector<256x5x8x128xf32> to vector<256x1x8x128xf32>
    %squeeze3A = vector.shape_cast %slice3A : vector<256x1x8x128xf32> to vector<256x8x128xf32>
    %reshape3A_4 = vector.shape_cast %squeeze3A : vector<256x8x128xf32> to vector<2048x128xf32>
    %get3A_5 = arith.constant 0 : index
    %get3A_6 = arith.constant 0 : index
    %get3A_7 = arith.constant 0 : index
    %get3A_8 = vector.load %arg2[%get3A_5, %get3A_6, %get3A_7] : memref<5x128x256xf32, #tpu.memory_space<vmem>>, vector<1x128x256xf32>
    %get3A_9 = vector.shape_cast %get3A_8 : vector<1x128x256xf32> to vector<128x256xf32>
    %dot_general3A = arith.constant dense<0.000000e+00> : vector<2048x256xf32>
    %dot_general3A_10 = tpu.matmul %reshape3A_4, %get3A_9, %dot_general3A {dimension_numbers = #tpu.dot_dimension_numbers<[1], [0], [0], [1], [0, 0, 1, 1], [], []>, transpose_lhs_hint = false} : vector<2048x128xf32>, vector<128x256xf32>, vector<2048x256xf32> -> vector<2048x256xf32>
    %add3A = arith.addf %broadcast_in_dim3A_3, %dot_general3A_10 : vector<2048x256xf32>
    %slice3A_11 = vector.extract_strided_slice %reshape3A {offsets = [0, 1, 0, 0], sizes = [256, 1, 8, 128], strides = [1, 1, 1, 1]} : vector<256x5x8x128xf32> to vector<256x1x8x128xf32>
    %squeeze3A_12 = vector.shape_cast %slice3A_11 : vector<256x1x8x128xf32> to vector<256x8x128xf32>
    %reshape3A_13 = vector.shape_cast %squeeze3A_12 : vector<256x8x128xf32> to vector<2048x128xf32>
    %get3A_14 = arith.constant 1 : index
    %get3A_15 = arith.constant 0 : index
    %get3A_16 = arith.constant 0 : index
    %get3A_17 = vector.load %arg2[%get3A_14, %get3A_15, %get3A_16] : memref<5x128x256xf32, #tpu.memory_space<vmem>>, vector<1x128x256xf32>
    %get3A_18 = vector.shape_cast %get3A_17 : vector<1x128x256xf32> to vector<128x256xf32>
    %dot_general3A_19 = arith.constant dense<0.000000e+00> : vector<2048x256xf32>
    %dot_general3A_20 = tpu.matmul %reshape3A_13, %get3A_18, %dot_general3A_19 {dimension_numbers = #tpu.dot_dimension_numbers<[1], [0], [0], [1], [0, 0, 1, 1], [], []>, transpose_lhs_hint = false} : vector<2048x128xf32>, vector<128x256xf32>, vector<2048x256xf32> -> vector<2048x256xf32>
    %add3A_21 = arith.addf %add3A, %dot_general3A_20 : vector<2048x256xf32>
    %slice3A_22 = vector.extract_strided_slice %reshape3A {offsets = [0, 2, 0, 0], sizes = [256, 1, 8, 128], strides = [1, 1, 1, 1]} : vector<256x5x8x128xf32> to vector<256x1x8x128xf32>
    %squeeze3A_23 = vector.shape_cast %slice3A_22 : vector<256x1x8x128xf32> to vector<256x8x128xf32>
    %reshape3A_24 = vector.shape_cast %squeeze3A_23 : vector<256x8x128xf32> to vector<2048x128xf32>
    %get3A_25 = arith.constant 2 : index
    %get3A_26 = arith.constant 0 : index
    %get3A_27 = arith.constant 0 : index
    %get3A_28 = vector.load %arg2[%get3A_25, %get3A_26, %get3A_27] : memref<5x128x256xf32, #tpu.memory_space<vmem>>, vector<1x128x256xf32>
    %get3A_29 = vector.shape_cast %get3A_28 : vector<1x128x256xf32> to vector<128x256xf32>
    %dot_general3A_30 = arith.constant dense<0.000000e+00> : vector<2048x256xf32>
    %dot_general3A_31 = tpu.matmul %reshape3A_24, %get3A_29, %dot_general3A_30 {dimension_numbers = #tpu.dot_dimension_numbers<[1], [0], [0], [1], [0, 0, 1, 1], [], []>, transpose_lhs_hint = false} : vector<2048x128xf32>, vector<128x256xf32>, vector<2048x256xf32> -> vector<2048x256xf32>
    %add3A_32 = arith.addf %add3A_21, %dot_general3A_31 : vector<2048x256xf32>
    %slice3A_33 = vector.extract_strided_slice %reshape3A {offsets = [0, 3, 0, 0], sizes = [256, 1, 8, 128], strides = [1, 1, 1, 1]} : vector<256x5x8x128xf32> to vector<256x1x8x128xf32>
    %squeeze3A_34 = vector.shape_cast %slice3A_33 : vector<256x1x8x128xf32> to vector<256x8x128xf32>
    %reshape3A_35 = vector.shape_cast %squeeze3A_34 : vector<256x8x128xf32> to vector<2048x128xf32>
    %get3A_36 = arith.constant 3 : index
    %get3A_37 = arith.constant 0 : index
    %get3A_38 = arith.constant 0 : index
    %get3A_39 = vector.load %arg2[%get3A_36, %get3A_37, %get3A_38] : memref<5x128x256xf32, #tpu.memory_space<vmem>>, vector<1x128x256xf32>
    %get3A_40 = vector.shape_cast %get3A_39 : vector<1x128x256xf32> to vector<128x256xf32>
    %dot_general3A_41 = arith.constant dense<0.000000e+00> : vector<2048x256xf32>
    %dot_general3A_42 = tpu.matmul %reshape3A_35, %get3A_40, %dot_general3A_41 {dimension_numbers = #tpu.dot_dimension_numbers<[1], [0], [0], [1], [0, 0, 1, 1], [], []>, transpose_lhs_hint = false} : vector<2048x128xf32>, vector<128x256xf32>, vector<2048x256xf32> -> vector<2048x256xf32>
    %add3A_43 = arith.addf %add3A_32, %dot_general3A_42 : vector<2048x256xf32>
    %slice3A_44 = vector.extract_strided_slice %reshape3A {offsets = [0, 4, 0, 0], sizes = [256, 1, 8, 128], strides = [1, 1, 1, 1]} : vector<256x5x8x128xf32> to vector<256x1x8x128xf32>
    %squeeze3A_45 = vector.shape_cast %slice3A_44 : vector<256x1x8x128xf32> to vector<256x8x128xf32>
    %reshape3A_46 = vector.shape_cast %squeeze3A_45 : vector<256x8x128xf32> to vector<2048x128xf32>
    %get3A_47 = arith.constant 4 : index
    %get3A_48 = arith.constant 0 : index
    %get3A_49 = arith.constant 0 : index
    %get3A_50 = vector.load %arg2[%get3A_47, %get3A_48, %get3A_49] : memref<5x128x256xf32, #tpu.memory_space<vmem>>, vector<1x128x256xf32>
    %get3A_51 = vector.shape_cast %get3A_50 : vector<1x128x256xf32> to vector<128x256xf32>
    %dot_general3A_52 = arith.constant dense<0.000000e+00> : vector<2048x256xf32>
    %dot_general3A_53 = tpu.matmul %reshape3A_46, %get3A_51, %dot_general3A_52 {dimension_numbers = #tpu.dot_dimension_numbers<[1], [0], [0], [1], [0, 0, 1, 1], [], []>, transpose_lhs_hint = false} : vector<2048x128xf32>, vector<128x256xf32>, vector<2048x256xf32> -> vector<2048x256xf32>
    %add3A_54 = arith.addf %add3A_43, %dot_general3A_53 : vector<2048x256xf32>
    %get3A_55 = arith.constant 0 : index
    %get3A_56 = arith.constant 0 : index
    %get3A_57 = vector.load %arg3[%get3A_55, %get3A_56] : memref<1x256xf32, #tpu.memory_space<vmem>>, vector<1x256xf32>
    %add3A_58 = vector.broadcast %get3A_57 : vector<1x256xf32> to vector<2048x256xf32>
    %add3A_59 = arith.addf %add3A_54, %add3A_58 : vector<2048x256xf32>
    %max3A = arith.constant 0.000000e+00 : f32
    %max3A_60 = vector.broadcast %max3A : f32 to vector<2048x256xf32>
    %max3A_61 = arith.maximumf %add3A_59, %max3A_60 : vector<2048x256xf32>
    %get3A_62 = arith.constant 0 : index
    %get3A_63 = arith.constant 0 : index
    %get3A_64 = vector.load %arg4[%get3A_62, %get3A_63] : memref<256x6xf32, #tpu.memory_space<vmem>>, vector<256x6xf32>
    %dot_general3A_65 = arith.constant dense<0.000000e+00> : vector<2048x6xf32>
    %dot_general3A_66 = tpu.matmul %max3A_61, %get3A_64, %dot_general3A_65 {dimension_numbers = #tpu.dot_dimension_numbers<[1], [0], [0], [1], [0, 0, 1, 1], [], []>, transpose_lhs_hint = false} : vector<2048x256xf32>, vector<256x6xf32>, vector<2048x6xf32> -> vector<2048x6xf32>
    %get3A_67 = arith.constant 0 : index
    %get3A_68 = arith.constant 0 : index
    %get3A_69 = vector.load %arg5[%get3A_67, %get3A_68] : memref<1x6xf32, #tpu.memory_space<vmem>>, vector<1x6xf32>
    %add3A_70 = vector.broadcast %get3A_69 : vector<1x6xf32> to vector<2048x6xf32>
    %add3A_71 = arith.addf %dot_general3A_66, %add3A_70 : vector<2048x6xf32>
    %swap3A = arith.constant 0 : index
    %swap3A_72 = arith.constant 0 : index
    %swap3A_73 = vector.load %arg6[%swap3A, %swap3A_72] : memref<2048x6xf32, #tpu.memory_space<vmem>>, vector<2048x6xf32>
    tpu.vector_store %arg6[%swap3A, %swap3A_72], %add3A_71 {strides = array<i32>} : memref<2048x6xf32, #tpu.memory_space<vmem>>, vector<2048x6xf32>,
    return
  }
  func.func @transform_0(%arg0: i32) -> (i32, i32, i32) {
    %c0_i32 = arith.constant 0 : i32
    %c0_i32_0 = arith.constant 0 : i32
    %c0_i32_1 = arith.constant 0 : i32
    return %arg0, %c0_i32, %c0_i32_0 : i32, i32, i32
  }
  func.func @transform_1(%arg0: i32) -> (i32, i32, i32) {
    %c0_i32 = arith.constant 0 : i32
    %c0_i32_0 = arith.constant 0 : i32
    %c0_i32_1 = arith.constant 0 : i32
    %c0_i32_2 = arith.constant 0 : i32
    return %c0_i32, %c0_i32_0, %c0_i32_1 : i32, i32, i32
  }
  func.func @transform_2(%arg0: i32) -> (i32, i32) {
    %c0_i32 = arith.constant 0 : i32
    %c0_i32_0 = arith.constant 0 : i32
    %c0_i32_1 = arith.constant 0 : i32
    return %c0_i32, %c0_i32_0 : i32, i32
  }
  func.func @transform_3(%arg0: i32) -> (i32, i32) {
    %c0_i32 = arith.constant 0 : i32
    %c0_i32_0 = arith.constant 0 : i32
    %c0_i32_1 = arith.constant 0 : i32
    return %c0_i32, %c0_i32_0 : i32, i32
  }
  func.func @transform_4(%arg0: i32) -> (i32, i32) {
    %c0_i32 = arith.constant 0 : i32
    %c0_i32_0 = arith.constant 0 : i32
    %c0_i32_1 = arith.constant 0 : i32
    return %c0_i32, %c0_i32_0 : i32, i32
  }
  func.func @transform_5(%arg0: i32) -> (i32, i32) {
    %c0_i32 = arith.constant 0 : i32
    %c0_i32_0 = arith.constant 0 : i32
    return %arg0, %c0_i32 : i32, i32
  }
}

</mosaic_0001>

<sc_bundles>
// kernel: kernel.5.cloned.1.call-start
scs
__scs_entry_jumppad:
0x0: {  	(pc) =	sbr.rel $0x88, $3  }
0x1: {  	(tag) =	ssettag $0x0;
	lr =	simm.s32 $0x1  }
0x2: {  	[smem:$0x3F9B] =	sst lr;
	_ =	strace $0xD0000000  }
0x3: {  	_ = 	snop  }
0x4: {  	_ = 	snop  }
0x5: {  	_ = 	snop  }
0x6: {  	_ = 	snop  }
0x7: {  	_ = 	snop  }
__scs_overlays_trampoline_lowered:
0x8: {  	[smem:$0x3FAA] =	sst s0  }
0x9: {  	[smem:$0x3FAB] =	sst s1  }
0xa: {  	[smem:$0x3FAC] =	sst s2  }
0xb: {  	[smem:$0x3FAD] =	sst s3  }
0xc: {  	[smem:$0x3FAE] =	sst s4  }
0xd: {  	[smem:$0x3FAF] =	sst s5  }
0xe: {  	[smem:$0x3FB0] =	sst s6  }
0xf: {  	[smem:$0x3FB1] =	sst s7  }
0x10: {  	[smem:$0x3FB2] =	sst s8  }
0x11: {  	[smem:$0x3FB3] =	sst s9;
	s0 =	simm.s32 @!p0 $0x0  }
0x12: {  	s1 =	sld [smem:$0x3F99];
	s0 =	simm.s32 @p0 $0x1  }
0x13: {  	[smem:$0x3FB4] =	sst s0;
	s0 =	simm.s32 @!p1 $0x0  }
0x14: {  	s2 =	sld [smem:$0x3F98];
	s0 =	simm.s32 @p1 $0x1  }
0x15: {  	[smem:$0x3FB5] =	sst s0;
	s0 =	simm.s32 @!p2 $0x0  }
0x16: {  	s3 =	sld [smem:$0x3FDB];
	s0 =	simm.s32 @p2 $0x1  }
0x17: {  	s4 =	simm.s32 $0x1BF5;
	[smem:$0x3FB7] =	sst s0  }
0x18: {  	s0 =	sld [smem:$0x3F9A];
	_ =	swait.ge [sflag:s4], $0x0  }
0x19: {  	s7 =	sld [smem:$0x3F9B]  }
0x1a: {  	s8 =	sadd.s32 $0xFFFFE003, lr  }
0x1b: {  	s9 =	sadd.s32 $0xFFFFFEF7, lr;
	s5 =	simm.s32 $0xFFFFFFFF;
	p2 =	slt.u32 s8, $0xFFFFF086  }
0x1c: {  	p1 =	slt.u32 s9, $0xF7A;
	s5 =	simm.s32 @!p2 $0x0  }
0x1d: {  	s5 =	simm.s32 @p1 $0x1;
	p0 =	seq.s32 s7, s2  }
0x1e: {  	s7 =	smul.u32 @!p0 $0xF7A, s2;
	p2 =	seq.s32 @!p0 s5, $0x0  }
0x1f: {  	s9 =	smul.u32 $0xF7A, s1;
	s8 =	simm.s32 @!p0 $0x1BF5;
	p2 =	por !p2, p0  }
0x20: {  	[sflag:s8] =	ssyncset.s32 @!p0 $0xFFFFF086;
	s6 =	sadd.s32 @!p0 s3, s7;
	s7 =	simm.s32 @!p0 $0x108  }
0x21: {  	s3 =	sadd.s32 s3, s9;
	s6 =	sadd.s32 @!p0 $0x88, s6;
	s7 =	simm.s32 @p2 $0x1082  }
0x22: {  	[simem:s7], [sflag:s8] =	dma.local @!p0 [hbm:s6], $0xF7A  }
0x23: {  	s9 =	sor.u32 $0xD0000000, s2;
	s6 =	simm.s32 $0x108;
	_ =	swait.ge @!p0 [sflag:s8], $0x0  }
0x24: {  	s3 =	sadd.s32 $0x88, s3;
	s6 =	simm.s32 @!p1 $0x1082;
	[sflag:s4] =	ssyncset.s32 $0xFFFFF086  }
0x25: {  	[simem:s6], [sflag:s4] =	dma.local [hbm:s3], $0xF7A  }
0x26: {  	[smem:$0x3F9B] =	sst s1;
	(tag) =	ssettag s2;
	_ =	strace s9  }
0x27: {  	s1 =	sld [smem:$0x3FAB]  }
0x28: {  	s2 =	sld [smem:$0x3FAC]  }
0x29: {  	s4 =	sld [smem:$0x3FAE]  }
0x2a: {  	p0 =	seq.s32 s5, $0x0;
	s5 =	sld [smem:$0x3FAF]  }
0x2b: {  	s6 =	sld [smem:$0x3FB0]  }
0x2c: {  	s7 =	sld [smem:$0x3FB1]  }
0x2d: {  	s3 =	simm.s32 $0x108;
	s8 =	sld [smem:$0x3FB2]  }
0x2e: {  	s3 =	simm.s32 @!p0 $0x1082;
	s9 =	sld [smem:$0x3FB3]  }
0x2f: {  	lr =	sadd.s32 s0, s3;
	s0 =	sld [smem:$0x3FAA]  }
0x30: {  	s3 =	sld [smem:$0x3FAD]  }
0x31: {  	[smem:$0x3FB6] =	sst s10  }
0x32: {  	s10 =	sld [smem:$0x3FB4];
	_ =	sdelay $0x3  }
0x33: {  	p0 =	seq.s32 s10, $0x1;
	s10 =	sld [smem:$0x3FB6];
	_ =	sdelay $0x3  }
0x34: {  	[smem:$0x3FB6] =	sst s10  }
0x35: {  	s10 =	sld [smem:$0x3FB5];
	_ =	sdelay $0x3  }
0x36: {  	p1 =	seq.s32 s10, $0x1;
	s10 =	sld [smem:$0x3FB6];
	_ =	sdelay $0x3  }
0x37: {  	[smem:$0x3FB6] =	sst s10  }
0x38: {  	s10 =	sld [smem:$0x3FB7]  }
0x39: {  	_ = 	snop;
	(pc) =	sbr.ind lr, $3  }
0x3a: {  	_ = 	snop  }
0x3b: {  	_ = 	snop  }
0x3c: {  	p2 =	seq.s32 s10, $0x1;
	s10 =	sld [smem:$0x3FB6]  }
0x3d: {  	_ =	shalt  }
0x3e: {  	_ =	shalt  }
0x3f: {  	_ =	shalt  }
0x40: {  	_ =	shalt  }
0x41: {  	_ =	shalt  }
0x42: {  	_ =	shalt  }
0x43: {  	_ =	shalt  }
0x44: {  	_ =	shalt  }
0x45: {  	_ =	shalt  }
0x46: {  	_ =	shalt  }
0x47: {  	_ =	shalt  }
0x48: {  	_ =	shalt  }
0x49: {  	_ =	shalt  }
0x4a: {  	_ =	shalt  }
0x4b: {  	_ =	shalt  }
0x4c: {  	_ =	shalt  }
0x4d: {  	_ =	shalt  }
0x4e: {  	_ =	shalt  }
0x4f: {  	_ =	shalt  }
0x50: {  	_ =	shalt  }
0x51: {  	_ =	shalt  }
0x52: {  	_ =	shalt  }
0x53: {  	_ =	shalt  }
0x54: {  	_ =	shalt  }
0x55: {  	_ =	shalt  }
0x56: {  	_ =	shalt  }
0x57: {  	_ =	shalt  }
0x58: {  	_ =	shalt  }
0x59: {  	_ =	shalt  }
0x5a: {  	_ =	shalt  }
0x5b: {  	_ =	shalt  }
0x5c: {  	_ =	shalt  }
0x5d: {  	_ =	shalt  }
0x5e: {  	_ =	shalt  }
0x5f: {  	_ =	shalt  }
0x60: {  	_ =	shalt  }
0x61: {  	_ =	shalt  }
0x62: {  	_ =	shalt  }
0x63: {  	_ =	shalt  }
0x64: {  	_ =	shalt  }
0x65: {  	_ =	shalt  }
0x66: {  	_ =	shalt  }
0x67: {  	_ =	shalt  }
0x68: {  	_ =	shalt  }
0x69: {  	_ =	shalt  }
0x6a: {  	_ =	shalt  }
0x6b: {  	_ =	shalt  }
0x6c: {  	_ =	shalt  }
0x6d: {  	_ =	shalt  }
0x6e: {  	_ =	shalt  }
0x6f: {  	_ =	shalt  }
0x70: {  	_ =	shalt  }
0x71: {  	_ =	shalt  }
0x72: {  	_ =	shalt  }
0x73: {  	_ =	shalt  }
0x74: {  	_ =	shalt  }
0x75: {  	_ =	shalt  }
0x76: {  	_ =	shalt  }
0x77: {  	_ =	shalt  }
0x78: {  	_ =	shalt  }
0x79: {  	_ =	shalt  }
0x7a: {  	_ =	shalt  }
0x7b: {  	_ =	shalt  }
0x7c: {  	_ =	shalt  }
0x7d: {  	_ =	shalt  }
0x7e: {  	_ =	shalt  }
0x7f: {  	_ =	shalt  }
0x80: {  	_ =	shalt  }
0x81: {  	_ =	shalt  }
0x82: {  	_ =	shalt  }
0x83: {  	_ =	shalt  }
0x84: {  	_ =	shalt  }
0x85: {  	_ =	shalt  }
0x86: {  	_ =	shalt  }
0x87: {  	_ =	shalt  }
.Lfunc_end0:
.L_simem_size_0:
called_computation_lowered:
.L_overlay_start_0:
0x88: {  	s2 =	sld [smem:$0x3FD9]  }
0x89: {  	s3 =	sld [smem:$0x3FFE];
	_ =	sdelay $0x1  }
0x8a: {  	s1 =	srdreg.scid  }
0x8b: {  	s0 =	sand.u32 $0x1, s1  }
0x8c: {  	s16 =	sshll.u32 s0, $0xA;
	s2 =	sadd.s32 s3, s2  }
0x8d: {  	s2 =	sadd.s32 s2, s16  }
0x8e: {  	[smem:$0x3FC2] =	sst s2  }
0x8f: {  	_ = 	snop  }
0x90: {  	(tm) =	ssettm $0x1  }
0x91: {  	s17 =	sld [smem:$0x3FFB];
	_ =	sdelay $0x3  }
0x92: {  	_ =	strace s17  }
0x93: {  	s2 =	sld [smem:$0x3FFC];
	_ =	sdelay $0x3  }
0x94: {  	_ =	strace s2  }
0x95: {  	s2 =	sld [smem:$0x3FFD];
	_ =	sdelay $0x3  }
0x96: {  	_ =	strace s2  }
0x97: {  	_ =	strace $0x8FFFFFFF  }
0x98: {  	s18 =	sld [smem:$0x3FDB];
	_ =	sdelay $0x1  }
0x99: {  	s19 =	simm.s32 $_scs_section_size  }
0x9a: {  	s4 =	simm.s32 $_size__tile_overlayer_lowered;
	s5 =	simm.s32 $_tile_overlayer_lowered  }
0x9b: {  	s22 =	simm.s32 $0x1BFF;
	s21 =	sshll.u32 s5, $0x1;
	s2 =	sadd.s32 s19, s18  }
0x9c: {  	s6 =	simm.s32 $0x0;
	s20 =	sshll.u32 s4, $0x1;
	s4 =	sadd.s32 s21, s2  }
0x9d: {  	[timem:s6], [sflag:s22] =	dma.local [hbm:s4], s20  }
0x9e: {  	_ =	swait.ge [sflag:s22], s20  }
0x9f: {  	s3 =	ssub.s32 $0x0, s20;
	[sflag:s22] =	ssyncset.done $0x0  }
0xa0: {  	[sflag:s22] =	ssyncadd.s32 s3;
	_ =	sdelay $0x1  }
0xa1: {  	s23 =	simm.s32 $0x1B8B  }
0xa2: {  	_ =	swait.ge [sflag:s23], $0x1  }
0xa3: {  	[sflag:s23] =	ssyncset.done $0x0  }
0xa4: {  	s25 =	simm.s32 $0x1B8E;
	s24 =	sld [smem:$0x3FFE];
	[sflag:s23] =	ssyncadd.s32 $0xFFFFFFFF  }
0xa5: {  	s26 =	simm.s32 $execute0_lowered;
	[smem:$0x3FD2] =	sst s25  }
0xa6: {  	s4 =	sshll.u32 s26, $0x1;
	_ =	strace $0x80000046;
	[dreg:$0x1] =	wrdreg $0xFFFFFFFF  }
0xa7: {  	s28 =	simm.s32 $_size_execute0_lowered;
	s2 =	sadd.s32 s2, s4;
	[dreg:$0x0] =	wrdreg $0x0  }
0xa8: {  	s4 =	sshll.u32 s28, $0x1;
	[dreg:$0x2] =	wrdreg s2  }
0xa9: {  	[dreg:$0x3] =	wrdreg s4  }
0xaa: {  	[dreg:$0x4] =	wrdreg $0xC0  }
0xab: {  	_ =	task [dreg:s6], $0x5FFFF  }
0xac: {  	[dreg:$0x1] =	wrdreg $0xFFFFFFFF  }
0xad: {  	[dreg:$0x0] =	wrdreg $0x60  }
0xae: {  	[dreg:$0x2] =	wrdreg s24  }
0xaf: {  	[dreg:$0x3] =	wrdreg $0x9  }
0xb0: {  	_ =	task.clear_ibuf [dreg:s6], $0x4FFFF;
	_ =	strace $0x90000046  }
0xb1: {  	s29 =	simm.s32 $0x9;
	_ =	strace $0x80000048  }
0xb2: {  	_ =	swait.ge [sflag:s29], $0x1  }
0xb3: {  	[sflag:s29] =	ssyncadd.s32 $0xFFFFFFFF  }
0xb4: {  	_ =	strace $0x90000048  }
0xb5: {  	_ =	sfence  }
0xb6: {  	s30 =	sld [smem:$0x0];
	_ =	sdelay $0x2  }
0xb7: {  	s31 =	sshll.u32 s1, $0xD;
	s1 =	sshrl.u32 s1, $0x2  }
0xb8: {  	s3 =	sand.u32 $0x4000, s31;
	s1 =	sadd.s32 s1, s30  }
0xb9: {  	s0 =	sor.u32 s3, s0;
	s1 =	sshll.u32 s1, $0x11  }
0xba: {  	s0 =	sor.u32 s1, s0  }
0xbb: {  	s0 =	sadd.s32 $0x8F2B, s0  }
0xbc: {  	[sflag:s0] =	ssyncadd.remote.s32 $0x1  }
0xbd: {  	_ =	sfence.sel $0xFFFF  }
0xbe: {  	[dreg:$0x0] =	wrdreg $0xFFFFFFFF;
	(pc) =	sbr.abs _section_cstart, $3  }
0xbf: {  	[dreg:$0x1] =	wrdreg $0xFFFFFFFF  }
0xc0: {  	_ =	task.clear_ibuf [dreg:s6], $0x2FFFF;
	_ =	strace $0x9FFFFFFF  }
0xc1: {  	(tm) =	ssettm $0x7FFFFFFF  }
tec
execute0_lowered:
.L_overlay_start_1:
0x0: {  	(tag) =	ssettag $0x1  }
0x1: {  	s1 =	srdreg.scid;
	s0 =	stileid.u32  }
0x2: {  	s16 =	sand.u32 $0x1, s1;
	s26 =	sshll.u32 s0, $0x1  }
0x3: {  	s8 =	sor.u32 s16, s26  }
0x4: {  	s9 =	rddreg [dreg:$0x0];
	s17 =	smul.u32 $0x2800, s8  }
0x5: {  	s2 =	simm.s32 $0x0;
	s1 =	rddreg [dreg:$0x1]  }
0x6: {  	[smem:$0x7FF] =	sst s2;
	s15 =	sadd.s32 $0x140C00, s9;
	s3 =	sshrl.u32 s17, $0x3  }
0x7: {  	_ =	strace $0x80000047;
	s4 =	sadd.s32 s15, s3;
	s3 =	simm.s32 $0x2  }
0x8: {  	[tilespmem:s2], [sflag:$0x2] =	stream.linear.gather [hbm4b:s4+s2], $0x800, $0x38;
	[tilespmem:$0x10800] =	vst v63  }
0x9: {  	_ =	swait.ge [sflag:s3], $0x800  }
0xa: {  	s6 =	simm.s32 $0x800;
	[sflag:s3] =	ssyncset.done $0x0  }
0xb: {  	s7 =	simm.s32 $0x1;
	s5 =	sadd.s32 $0x14AC00, s9;
	[sflag:s3] =	ssyncadd.s32 $0xFFFFF800  }
0xc: {  	[tilespmem:s6], [sflag:$0x1] =	stream.indirect.gather [hbm4b:s5+s6], $0x20, s2, s6, $0xb8;
	[tilespmem:$0x10800] =	vst v63  }
0xd: {  	s8 =	smul.u32 $0xA000, s8;
	_ =	swait.ge [sflag:s7], $0x10000  }
0xe: {  	s18 =	sadd.s32 $0xC00, s9;
	[sflag:s7] =	ssyncset.done $0x0  }
0xf: {  	s8 =	sadd.s32 s18, s8;
	[sflag:s7] =	ssyncadd.s32 $0xFFFF0000  }
0x10: {  	[hbm4b:s8+s2] =	stream.linear.scatter [tilespmem:s6], [sflag:$0x2], $0x10000, $0x38;
	[tilespmem:$0x10800] =	vst v63  }
0x11: {  	s10 =	sadd.s32 $0x800, s17;
	_ =	swait.ge [sflag:s3], $0x10000  }
0x12: {  	s28 =	sshrl.u32 s10, $0x3;
	[sflag:s3] =	ssyncset.done $0x0  }
0x13: {  	s9 =	sadd.s32 s15, s28;
	[sflag:s3] =	ssyncadd.s32 $0xFFFF0000  }
0x14: {  	[tilespmem:s2], [sflag:$0x2] =	stream.linear.gather [hbm4b:s9+s2], $0x800, $0x38;
	[tilespmem:$0x10800] =	vst v63  }
0x15: {  	_ =	swait.ge [sflag:s3], $0x800  }
0x16: {  	[sflag:s3] =	ssyncset.done $0x0  }
0x17: {  	[sflag:s3] =	ssyncadd.s32 $0xFFFFF800  }
0x18: {  	[tilespmem:s6], [sflag:$0x1] =	stream.indirect.gather [hbm4b:s5+s6], $0x20, s2, s6, $0xb8;
	[tilespmem:$0x10800] =	vst v63  }
0x19: {  	_ =	swait.ge [sflag:s7], $0x10000  }
0x1a: {  	s10 =	sshll.u32 s10, $0x2;
	[sflag:s7] =	ssyncset.done $0x0  }
0x1b: {  	s10 =	sadd.s32 s18, s10;
	[sflag:s7] =	ssyncadd.s32 $0xFFFF0000  }
0x1c: {  	[hbm4b:s10+s2] =	stream.linear.scatter [tilespmem:s6], [sflag:$0x2], $0x10000, $0x38;
	[tilespmem:$0x10800] =	vst v63  }
0x1d: {  	s12 =	sadd.s32 $0x1000, s17;
	_ =	swait.ge [sflag:s3], $0x10000  }
0x1e: {  	s11 =	sshrl.u32 s12, $0x3;
	[sflag:s3] =	ssyncset.done $0x0  }
0x1f: {  	s11 =	sadd.s32 s15, s11;
	[sflag:s3] =	ssyncadd.s32 $0xFFFF0000  }
0x20: {  	[tilespmem:s2], [sflag:$0x2] =	stream.linear.gather [hbm4b:s11+s2], $0x800, $0x38;
	[tilespmem:$0x10800] =	vst v63  }
0x21: {  	_ =	swait.ge [sflag:s3], $0x800  }
0x22: {  	[sflag:s3] =	ssyncset.done $0x0  }
0x23: {  	[sflag:s3] =	ssyncadd.s32 $0xFFFFF800  }
0x24: {  	[tilespmem:s6], [sflag:$0x1] =	stream.indirect.gather [hbm4b:s5+s6], $0x20, s2, s6, $0xb8;
	[tilespmem:$0x10800] =	vst v63  }
0x25: {  	_ =	swait.ge [sflag:s7], $0x10000  }
0x26: {  	s12 =	sshll.u32 s12, $0x2;
	[sflag:s7] =	ssyncset.done $0x0  }
0x27: {  	s12 =	sadd.s32 s18, s12;
	[sflag:s7] =	ssyncadd.s32 $0xFFFF0000  }
0x28: {  	[hbm4b:s12+s2] =	stream.linear.scatter [tilespmem:s6], [sflag:$0x2], $0x10000, $0x38;
	[tilespmem:$0x10800] =	vst v63  }
0x29: {  	s14 =	sadd.s32 $0x1800, s17;
	_ =	swait.ge [sflag:s3], $0x10000  }
0x2a: {  	s13 =	sshrl.u32 s14, $0x3;
	[sflag:s3] =	ssyncset.done $0x0  }
0x2b: {  	s13 =	sadd.s32 s15, s13;
	[sflag:s3] =	ssyncadd.s32 $0xFFFF0000  }
0x2c: {  	[tilespmem:s2], [sflag:$0x2] =	stream.linear.gather [hbm4b:s13+s2], $0x800, $0x38;
	[tilespmem:$0x10800] =	vst v63  }
0x2d: {  	_ =	swait.ge [sflag:s3], $0x800  }
0x2e: {  	[sflag:s3] =	ssyncset.done $0x0  }
0x2f: {  	[sflag:s3] =	ssyncadd.s32 $0xFFFFF800  }
0x30: {  	[tilespmem:s6], [sflag:$0x1] =	stream.indirect.gather [hbm4b:s5+s6], $0x20, s2, s6, $0xb8;
	[tilespmem:$0x10800] =	vst v63  }
0x31: {  	_ =	swait.ge [sflag:s7], $0x10000  }
0x32: {  	s14 =	sshll.u32 s14, $0x2;
	[sflag:s7] =	ssyncset.done $0x0  }
0x33: {  	s14 =	sadd.s32 s18, s14;
	[sflag:s7] =	ssyncadd.s32 $0xFFFF0000  }
0x34: {  	[hbm4b:s14+s2] =	stream.linear.scatter [tilespmem:s6], [sflag:$0x2], $0x10000, $0x38;
	[tilespmem:$0x10800] =	vst v63  }
0x35: {  	s17 =	sadd.s32 $0x2000, s17;
	_ =	swait.ge [sflag:s3], $0x10000  }
0x36: {  	s19 =	sshrl.u32 s17, $0x3;
	[sflag:s3] =	ssyncset.done $0x0  }
0x37: {  	s16 =	ssub.s32 $0x2, s16;
	s15 =	sadd.s32 s15, s19;
	[sflag:s3] =	ssyncadd.s32 $0xFFFF0000  }
0x38: {  	[tilespmem:s2], [sflag:$0x2] =	stream.linear.gather [hbm4b:s15+s2], $0x800, $0x38;
	[tilespmem:$0x10800] =	vst v63  }
0x39: {  	s29 =	sshrl.u32 s16, $0x1;
	_ =	swait.ge [sflag:s3], $0x800  }
0x3a: {  	s19 =	ssub.s32 s16, s29;
	[sflag:s3] =	ssyncset.done $0x0  }
0x3b: {  	s31 =	smax.u32 s19, $0x1;
	[sflag:s3] =	ssyncadd.s32 $0xFFFFF800  }
0x3c: {  	[tilespmem:s6], [sflag:$0x1] =	stream.indirect.gather [hbm4b:s5+s6], $0x20, s2, s6, $0xb8;
	[tilespmem:$0x10800] =	vst v63  }
0x3d: {  	p0 =	sne.s32 s31, $0x1;
	_ =	swait.ge [sflag:s7], $0x10000  }
.Ltmp0:
0x3e: {  	s30 =	sshll.u32 s17, $0x2;
	[sflag:s7] =	ssyncset.done $0x0;
	(pc) =	sbr.rel @!p0 .LBB2_2-.Ltmp0, $4  }
0x3f: {  	s16 =	sadd.s32 s18, s30;
	[sflag:s7] =	ssyncadd.s32 $0xFFFF0000  }
0x40: {  	[hbm4b:s16+s2] =	stream.linear.scatter [tilespmem:s6], [sflag:$0x2], $0x10000, $0x38;
	[tilespmem:$0x10800] =	vst v63  }
0x41: {  	_ =	swait.ge [sflag:s3], $0x10000  }
0x42: {  	s17 =	sadd.s32 $0xFFFFFFFF, s31;
	[sflag:s3] =	ssyncset.done $0x0  }
.LBB2_1:
0x43: {  	p0 =	sne.s32 s17, $0x1;
	s17 =	sadd.s32 $0xFFFFFFFF, s17;
	[sflag:s3] =	ssyncadd.s32 $0xFFFF0000  }
0x44: {  	[tilespmem:s2], [sflag:$0x2] =	stream.linear.gather [hbm4b:s4+s2], $0x800, $0x38;
	[tilespmem:$0x10800] =	vst v63  }
0x45: {  	_ =	swait.ge [sflag:s3], $0x800  }
0x46: {  	[sflag:s3] =	ssyncset.done $0x0  }
0x47: {  	[sflag:s3] =	ssyncadd.s32 $0xFFFFF800  }
0x48: {  	[tilespmem:s6], [sflag:$0x1] =	stream.indirect.gather [hbm4b:s5+s6], $0x20, s2, s6, $0xb8;
	[tilespmem:$0x10800] =	vst v63  }
0x49: {  	_ =	swait.ge [sflag:s7], $0x10000  }
0x4a: {  	[sflag:s7] =	ssyncset.done $0x0  }
0x4b: {  	[sflag:s7] =	ssyncadd.s32 $0xFFFF0000  }
0x4c: {  	[hbm4b:s8+s2] =	stream.linear.scatter [tilespmem:s6], [sflag:$0x2], $0x10000, $0x38;
	[tilespmem:$0x10800] =	vst v63  }
0x4d: {  	_ =	swait.ge [sflag:s3], $0x10000  }
0x4e: {  	[sflag:s3] =	ssyncset.done $0x0  }
0x4f: {  	[sflag:s3] =	ssyncadd.s32 $0xFFFF0000  }
0x50: {  	[tilespmem:s2], [sflag:$0x2] =	stream.linear.gather [hbm4b:s9+s2], $0x800, $0x38;
	[tilespmem:$0x10800] =	vst v63  }
0x51: {  	_ =	swait.ge [sflag:s3], $0x800  }
0x52: {  	[sflag:s3] =	ssyncset.done $0x0  }
0x53: {  	[sflag:s3] =	ssyncadd.s32 $0xFFFFF800  }
0x54: {  	[tilespmem:s6], [sflag:$0x1] =	stream.indirect.gather [hbm4b:s5+s6], $0x20, s2, s6, $0xb8;
	[tilespmem:$0x10800] =	vst v63  }
0x55: {  	_ =	swait.ge [sflag:s7], $0x10000  }
0x56: {  	[sflag:s7] =	ssyncset.done $0x0  }
0x57: {  	[sflag:s7] =	ssyncadd.s32 $0xFFFF0000  }
0x58: {  	[hbm4b:s10+s2] =	stream.linear.scatter [tilespmem:s6], [sflag:$0x2], $0x10000, $0x38;
	[tilespmem:$0x10800] =	vst v63  }
0x59: {  	_ =	swait.ge [sflag:s3], $0x10000  }
0x5a: {  	[sflag:s3] =	ssyncset.done $0x0  }
0x5b: {  	[sflag:s3] =	ssyncadd.s32 $0xFFFF0000  }
0x5c: {  	[tilespmem:s2], [sflag:$0x2] =	stream.linear.gather [hbm4b:s11+s2], $0x800, $0x38;
	[tilespmem:$0x10800] =	vst v63  }
0x5d: {  	_ =	swait.ge [sflag:s3], $0x800  }
0x5e: {  	[sflag:s3] =	ssyncset.done $0x0  }
0x5f: {  	[sflag:s3] =	ssyncadd.s32 $0xFFFFF800  }
0x60: {  	[tilespmem:s6], [sflag:$0x1] =	stream.indirect.gather [hbm4b:s5+s6], $0x20, s2, s6, $0xb8;
	[tilespmem:$0x10800] =	vst v63  }
0x61: {  	_ =	swait.ge [sflag:s7], $0x10000  }
0x62: {  	[sflag:s7] =	ssyncset.done $0x0  }
0x63: {  	[sflag:s7] =	ssyncadd.s32 $0xFFFF0000  }
0x64: {  	[hbm4b:s12+s2] =	stream.linear.scatter [tilespmem:s6], [sflag:$0x2], $0x10000, $0x38;
	[tilespmem:$0x10800] =	vst v63  }
0x65: {  	_ =	swait.ge [sflag:s3], $0x10000  }
0x66: {  	[sflag:s3] =	ssyncset.done $0x0  }
0x67: {  	[sflag:s3] =	ssyncadd.s32 $0xFFFF0000  }
0x68: {  	[tilespmem:s2], [sflag:$0x2] =	stream.linear.gather [hbm4b:s13+s2], $0x800, $0x38;
	[tilespmem:$0x10800] =	vst v63  }
0x69: {  	_ =	swait.ge [sflag:s3], $0x800  }
0x6a: {  	[sflag:s3] =	ssyncset.done $0x0  }
0x6b: {  	[sflag:s3] =	ssyncadd.s32 $0xFFFFF800  }
0x6c: {  	[tilespmem:s6], [sflag:$0x1] =	stream.indirect.gather [hbm4b:s5+s6], $0x20, s2, s6, $0xb8;
	[tilespmem:$0x10800] =	vst v63  }
0x6d: {  	_ =	swait.ge [sflag:s7], $0x10000  }
0x6e: {  	[sflag:s7] =	ssyncset.done $0x0  }
0x6f: {  	[sflag:s7] =	ssyncadd.s32 $0xFFFF0000  }
0x70: {  	[hbm4b:s14+s2] =	stream.linear.scatter [tilespmem:s6], [sflag:$0x2], $0x10000, $0x38;
	[tilespmem:$0x10800] =	vst v63  }
0x71: {  	_ =	swait.ge [sflag:s3], $0x10000  }
0x72: {  	[sflag:s3] =	ssyncset.done $0x0  }
0x73: {  	[sflag:s3] =	ssyncadd.s32 $0xFFFF0000  }
0x74: {  	[tilespmem:s2], [sflag:$0x2] =	stream.linear.gather [hbm4b:s15+s2], $0x800, $0x38;
	[tilespmem:$0x10800] =	vst v63  }
0x75: {  	_ =	swait.ge [sflag:s3], $0x800  }
0x76: {  	[sflag:s3] =	ssyncset.done $0x0  }
0x77: {  	[sflag:s3] =	ssyncadd.s32 $0xFFFFF800  }
0x78: {  	[tilespmem:s6], [sflag:$0x1] =	stream.indirect.gather [hbm4b:s5+s6], $0x20, s2, s6, $0xb8;
	[tilespmem:$0x10800] =	vst v63  }
0x79: {  	_ =	swait.ge [sflag:s7], $0x10000  }
.Ltmp1:
0x7a: {  	[sflag:s7] =	ssyncset.done $0x0;
	(pc) =	sbr.rel @p0 .LBB2_1-.Ltmp1, $4  }
0x7b: {  	[sflag:s7] =	ssyncadd.s32 $0xFFFF0000  }
0x7c: {  	[hbm4b:s16+s2] =	stream.linear.scatter [tilespmem:s6], [sflag:$0x2], $0x10000, $0x38;
	[tilespmem:$0x10800] =	vst v63  }
0x7d: {  	_ =	swait.ge [sflag:s3], $0x10000  }
0x7e: {  	[sflag:s3] =	ssyncset.done $0x0  }
.LBB2_2:
0x7f: {  	[sflag:s3] =	ssyncadd.s32 $0xFFFF0000  }
0x80: {  	_ =	sfence.sel $0x180000  }
0x81: {  	[bflag:$0x0] =	sbarrier.arrive $0xFFFF  }
0x82: {  	p0 =	sne.s32 s0, $0x0;
	_ =	strace $0x90000047  }
0x83: {  	s0 =	sadd.s32 @!p0 $0x100000, s1;
	[bflag:$0x2] =	sbarrier.arrive $0xFFFF  }
0x84: {  	[sflag:s0] =	ssyncadd.tile.s32 @!p0 $0x1;
	_ =	shalt  }
.Lfunc_end2:
_tile_overlayer_lowered:
.L_overlay_start_2:
0x85: {  	(tag) =	ssettag $0x2  }
0x86: {  	s0 =	rddreg [dreg:$0x0];
	s2 =	stileid.u32  }
0x87: {  	s1 =	rddreg [dreg:$0x1];
	p0 =	sne.s32 s2, $0x0  }
0x88: {  	s3 =	rddreg [dreg:$0x2];
	[bflag:$0x3] =	sbarrier.arrive $0xFFFF;
	s2 =	simm.s32 @!p0 $0x1C02  }
0x89: {  	[timem:s3], [sflag:s2] =	dma.local @!p0 [hbm:s0], s1  }
0x8a: {  	s0 =	simm.s32 @!p0 $0x2  }
0x8b: {  	_ =	swait.ge @!p0 [sflag:s0], s1  }
0x8c: {  	s1 =	ssub.s32 @!p0 $0x0, s1;
	[sflag:s0] =	ssyncset.done @!p0 $0x0  }
0x8d: {  	[sflag:s0] =	ssyncadd.s32 @!p0 s1  }
0x8e: {  	[bflag:$0x3] =	sbarrier.arrive $0xFFFF  }
0x8f: {  	_ =	shalt  }

</sc_bundles>
